<compile_context>
chip_gen: v7x
topology: tpu7x:2x2x1
jax: 0.10.2.dev20260603
libtpu: 0.0.44.dev20260713+nightly
codegen_flags: <defaults>
</compile_context>

<pallas_src>
import jax
import jax.numpy as jnp
from jax import lax
from jax.experimental import pallas as pl
from jax.experimental.pallas import tpu as pltpu
from jax.experimental.pallas import tpu_sc as plsc

B = 16384
F = 26
FIELD_SIZE = 100000
TOTAL = F * FIELD_SIZE
LO = (TOTAL // 1024) * 1024
HI = TOTAL - LO
NC, NS = 2, 16
NW = NC * NS
R = B // NW
E = R * F
RC = R // 16


def _body(data_hbm, lo_hbm, hi_hbm, bias_hbm, out_hbm,
          data_v, idx_v, idxc_v, vals_v, out_v, hi_v, bias_v, sem):
    wid = lax.axis_index("s") * NC + lax.axis_index("c")

    pltpu.sync_copy(data_hbm.at[:, pl.ds(wid * R, R)], data_v)
    pltpu.sync_copy(bias_hbm, bias_v)
    pltpu.sync_copy(hi_hbm, hi_v)

    def field_phase(f, carry):
        def add_body(j, c2):
            sl = pl.ds(j * 16, 16)
            idx = data_v[f, sl] + f * FIELD_SIZE
            idxc_v[pl.ds(f * R + j * 16, 16)] = jnp.minimum(idx, LO - 1)
            return c2

        lax.fori_loop(0, RC, add_body, 0)
        sl = pl.ds(f * R, R)
        pltpu.async_copy(lo_hbm.at[idxc_v.at[sl]], vals_v.at[sl], sem.at[f])
        return carry

    lax.fori_loop(0, F - 1, field_phase, 0)

    def add25_body(j, carry):
        sl = pl.ds(j * 16, 16)
        idx = data_v[F - 1, sl] + (F - 1) * FIELD_SIZE
        idx_v[sl] = idx
        idxc_v[pl.ds((F - 1) * R + j * 16, 16)] = jnp.minimum(idx, LO - 1)
        return carry

    lax.fori_loop(0, RC, add25_body, 0)
    sl25 = pl.ds((F - 1) * R, R)
    h25 = pltpu.async_copy(lo_hbm.at[idxc_v.at[sl25]], vals_v.at[sl25],
                           sem.at[F - 1])

    bias_vec = bias_v[...]

    def init_body(c, carry):
        out_v[pl.ds(c * 16, 16)] = bias_vec
        return carry

    lax.fori_loop(0, RC, init_body, 0)

    def acc_phase(f, carry):
        sl = pl.ds(f * R, R)
        pltpu.make_async_copy(
            lo_hbm.at[idxc_v.at[sl]], vals_v.at[sl], sem.at[f]).wait()

        def accf_body(c, c2):
            slc = pl.ds(c * 16, 16)
            out_v[slc] = out_v[slc] + vals_v[pl.ds(f * R + c * 16, 16)]
            return c2

        lax.fori_loop(0, RC, accf_body, 0)
        return carry

    lax.fori_loop(0, F - 1, acc_phase, 0)

    def last_body(c, carry):
        rbase = c * 16
        sl = pl.ds((F - 1) * R + rbase, 16)
        v = vals_v[sl]
        io = idx_v[pl.ds(rbase, 16)]
        hv = plsc.load_gather(hi_v, [jnp.maximum(io - LO, 0)])
        acc = out_v[pl.ds(rbase, 16)] + jnp.where(io >= LO, hv, v)
        out_v[pl.ds(rbase, 16)] = 1.0 / (1.0 + jnp.exp(-acc))
        return carry

    h25.wait()
    lax.fori_loop(0, RC, last_body, 0)

    pltpu.sync_copy(out_v, out_hbm.at[pl.ds(wid * R, R)])


@jax.jit
def kernel(data, table, bias):
    mesh = plsc.VectorSubcoreMesh(
        core_axis_name="c", subcore_axis_name="s",
        num_cores=NC, num_subcores=NS)
    run = pl.kernel(
        _body,
        out_type=jax.ShapeDtypeStruct((B,), jnp.float32),
        mesh=mesh,
        compiler_params=pltpu.CompilerParams(needs_layout_passes=False),
        scratch_types=[
            pltpu.VMEM((F, R), jnp.int32),
            pltpu.VMEM((R,), jnp.int32),
            pltpu.VMEM((E,), jnp.int32),
            pltpu.VMEM((E,), jnp.float32),
            pltpu.VMEM((R,), jnp.float32),
            pltpu.VMEM((HI,), jnp.float32),
            pltpu.VMEM((16,), jnp.float32),
            pltpu.SemaphoreType.DMA((F,)),
        ],
    )
    bias16 = jnp.broadcast_to(bias.astype(jnp.float32), (16,))
    table_lo = lax.slice(table, (0, 0), (LO, 1)).reshape(LO)
    table_hi = lax.slice(table, (LO, 0), (TOTAL, 1)).reshape(HI)
    return run(data.T, table_lo, table_hi, bias16)

# --- scband reference (transcript-rebuilt; emitter-appended) ---
"""Pipeline reference for scband-lr-51333449121815 (READ-ONLY COPY).

The authoritative reference and input builder live on the scoring server;
editing this copy changes nothing except your own understanding.
"""

import jax, jax.numpy as jnp
import numpy as np

FEATURE_DIMS = [100000] * 26
OFFSETS = jnp.asarray(np.concatenate([[0], np.cumsum(FEATURE_DIMS)[:-1]]), dtype=jnp.int32)
TOTAL_ROWS = int(np.sum(FEATURE_DIMS))


def setup_inputs(seed: int = 0) -> dict:
    key = jax.random.key(seed)
    k1, k2 = jax.random.split(key)
    data = jax.random.randint(k1, (16384, 26), 0, 100000, dtype=jnp.int32)
    table = jax.random.normal(k2, (TOTAL_ROWS, 1), dtype=jnp.float32) * 0.01
    bias = jnp.zeros((1,), dtype=jnp.float32)
    return {"data": data, "table": table, "bias": bias}


def reference(data, table, bias):
    # Feature_Embedding_Sum: per-field offset into a single concatenated table,
    # gather [B, F, out_dim], sum over fields + bias -> [B, out_dim], then sigmoid, squeeze(1)
    idx = data + OFFSETS[None, :]                 # [B, F]
    emb = jnp.take(table, idx, axis=0)            # [B, F, 1]
    s = jnp.sum(emb, axis=1) + bias[None, :]      # [B, 1]
    out = jax.nn.sigmoid(s)                       # [B, 1]
    return out.squeeze(1)                         # [B]

if __name__ == "__main__":
    import jax
    _d = setup_inputs()
    print(jax.jit(kernel)(*tuple(_d.values())))

</pallas_src>

<mosaic_0001>
#map = affine_map<(d0, d1) -> (0, 0)>
#map1 = affine_map<(d0, d1) -> (0)>
module attributes {stable_mosaic.version = 14 : i64} {
  func.func @_body(%arg0: i32, %arg1: i32, %arg2: memref<26x16384xi32, #tpu.memory_space<hbm>>, %arg3: memref<2599936xf32, #tpu.memory_space<hbm>>, %arg4: memref<64xf32, #tpu.memory_space<hbm>>, %arg5: memref<16xf32, #tpu.memory_space<hbm>>, %arg6: memref<16384xf32, #tpu.memory_space<hbm>>, %arg7: memref<26x512xi32, #tpu.memory_space<vmem>>, %arg8: memref<512xi32, #tpu.memory_space<vmem>>, %arg9: memref<13312xi32, #tpu.memory_space<vmem>>, %arg10: memref<13312xf32, #tpu.memory_space<vmem>>, %arg11: memref<512xf32, #tpu.memory_space<vmem>>, %arg12: memref<64xf32, #tpu.memory_space<vmem>>, %arg13: memref<16xf32, #tpu.memory_space<vmem>>, %arg14: memref<26x!tpu.dma_semaphore, #tpu.memory_space<semaphore_mem>>) attributes {dimension_semantics = [#tpu.dimension_semantics<core_parallel>, #tpu.dimension_semantics<subcore_parallel>], iteration_bounds = array<i64: 2, 16>, scalar_prefetch = 0 : i64, scratch_operands = 8 : i64, tpu.core_type = #tpu.core_type<sc_vector_subcore>, window_params = [{transform_indices = #map}, {transform_indices = #map1}, {transform_indices = #map1}, {transform_indices = #map1}, {transform_indices = #map1}]} {
    %mul3A = arith.constant 2 : i32
    %mul3A_0 = arith.muli %arg1, %mul3A : i32
    %add3A = arith.addi %mul3A_0, %arg0 : i32
    %mul3A_1 = arith.constant 512 : i32
    %mul3A_2 = arith.muli %add3A, %mul3A_1 : i32
    "tpu.region"() ({
      %run_scoped3A = tpu.sem_alloc : memref<!tpu.dma_semaphore, #tpu.memory_space<semaphore_mem>>
      %dma_start3A_51 = arith.constant 0 : i32
      %dma_start3A_52 = tpu.memref_slice %arg2[%dma_start3A_51, %mul3A_2] : memref<26x16384xi32, #tpu.memory_space<hbm>> -> memref<26x512xi32, #tpu.memory_space<hbm>>
      %dma_start3A_53 = arith.constant 0 : i32
      %dma_start3A_54 = tpu.memref_slice %arg2[%dma_start3A_53, %mul3A_2] : memref<26x16384xi32, #tpu.memory_space<hbm>> -> memref<26x512xi32, #tpu.memory_space<hbm>>
      tpu.enqueue_dma source(%dma_start3A_54 : memref<26x512xi32, #tpu.memory_space<hbm>>) target(%arg7 : memref<26x512xi32, #tpu.memory_space<vmem>>) target_semaphore(%run_scoped3A : memref<!tpu.dma_semaphore, #tpu.memory_space<semaphore_mem>>)
      %dma_wait3A_55 = arith.constant 0 : i32
      %dma_wait3A_56 = tpu.memref_slice %arg2[%dma_wait3A_55, %mul3A_2] : memref<26x16384xi32, #tpu.memory_space<hbm>> -> memref<26x512xi32, #tpu.memory_space<hbm>>
      %dma_wait3A_57 = arith.constant 0 : i32
      %dma_wait3A_58 = tpu.memref_slice %arg2[%dma_wait3A_57, %mul3A_2] : memref<26x16384xi32, #tpu.memory_space<hbm>> -> memref<26x512xi32, #tpu.memory_space<hbm>>
      tpu.wait_dma2 semaphore(%run_scoped3A : memref<!tpu.dma_semaphore, #tpu.memory_space<semaphore_mem>>) src(%dma_wait3A_58 : memref<26x512xi32, #tpu.memory_space<hbm>>) dst(%arg7 : memref<26x512xi32, #tpu.memory_space<vmem>>)
      tpu.yield
    }) : () -> ()
    "tpu.region"() ({
      %run_scoped3A = tpu.sem_alloc : memref<!tpu.dma_semaphore, #tpu.memory_space<semaphore_mem>>
      tpu.enqueue_dma source(%arg5 : memref<16xf32, #tpu.memory_space<hbm>>) target(%arg13 : memref<16xf32, #tpu.memory_space<vmem>>) target_semaphore(%run_scoped3A : memref<!tpu.dma_semaphore, #tpu.memory_space<semaphore_mem>>)
      tpu.wait_dma2 semaphore(%run_scoped3A : memref<!tpu.dma_semaphore, #tpu.memory_space<semaphore_mem>>) src(%arg5 : memref<16xf32, #tpu.memory_space<hbm>>) dst(%arg13 : memref<16xf32, #tpu.memory_space<vmem>>)
      tpu.yield
    }) : () -> ()
    "tpu.region"() ({
      %run_scoped3A = tpu.sem_alloc : memref<!tpu.dma_semaphore, #tpu.memory_space<semaphore_mem>>
      tpu.enqueue_dma source(%arg4 : memref<64xf32, #tpu.memory_space<hbm>>) target(%arg12 : memref<64xf32, #tpu.memory_space<vmem>>) target_semaphore(%run_scoped3A : memref<!tpu.dma_semaphore, #tpu.memory_space<semaphore_mem>>)
      tpu.wait_dma2 semaphore(%run_scoped3A : memref<!tpu.dma_semaphore, #tpu.memory_space<semaphore_mem>>) src(%arg4 : memref<64xf32, #tpu.memory_space<hbm>>) dst(%arg12 : memref<64xf32, #tpu.memory_space<vmem>>)
      tpu.yield
    }) : () -> ()
    %scan3A = arith.constant 0 : i32
    %scan3A_3 = arith.constant 0 : i32
    %scan3A_4 = arith.constant 25 : i32
    %scan3A_5 = arith.addi %scan3A_3, %scan3A_4 : i32
    %scan3A_6 = arith.constant 1 : i32
    scf.for %scan3A_51 = %scan3A_3 to %scan3A_5 step %scan3A_6  : i32 {
      %scan3A_52 = arith.constant 0 : i32
      %scan3A_53 = arith.constant 0 : i32
      %scan3A_54 = arith.constant 32 : i32
      %scan3A_55 = arith.addi %scan3A_53, %scan3A_54 : i32
      %scan3A_56 = arith.constant 1 : i32
      scf.for %scan3A_66 = %scan3A_53 to %scan3A_55 step %scan3A_56  : i32 {
        %mul3A_67 = arith.constant 16 : i32
        %mul3A_68 = arith.muli %scan3A_66, %mul3A_67 : i32
        %get3A_69 = arith.index_cast %scan3A_51 : i32 to index
        %get3A_70 = arith.index_cast %mul3A_68 : i32 to index
        %get3A_71 = tpu.vector_load %arg7[%get3A_69, %get3A_70] {strides = array<i32>} : memref<26x512xi32, #tpu.memory_space<vmem>>, vector<16xi32>,
        %mul3A_72 = arith.constant 100000 : i32
        %mul3A_73 = arith.muli %scan3A_51, %mul3A_72 : i32
        %add3A_74 = vector.broadcast %mul3A_73 : i32 to vector<16xi32>
        %add3A_75 = arith.addi %get3A_71, %add3A_74 : vector<16xi32>
        %min3A = arith.constant 2599935 : i32
        %min3A_76 = vector.broadcast %min3A : i32 to vector<16xi32>
        %min3A_77 = arith.minsi %add3A_75, %min3A_76 : vector<16xi32>
        %mul3A_78 = arith.constant 512 : i32
        %mul3A_79 = arith.muli %scan3A_51, %mul3A_78 : i32
        %mul3A_80 = arith.constant 16 : i32
        %mul3A_81 = arith.muli %scan3A_66, %mul3A_80 : i32
        %add3A_82 = arith.addi %mul3A_79, %mul3A_81 : i32
        %swap3A = arith.index_cast %add3A_82 : i32 to index
        %swap3A_83 = tpu.vector_load %arg9[%swap3A] {strides = array<i32>} : memref<13312xi32, #tpu.memory_space<vmem>>, vector<16xi32>,
        tpu.vector_store %arg9[%swap3A], %min3A_77 {strides = array<i32>} : memref<13312xi32, #tpu.memory_space<vmem>>, vector<16xi32>,
      }
      %scan3A_57 = arith.constant 32 : i32
      %mul3A_58 = arith.constant 512 : i32
      %mul3A_59 = arith.muli %scan3A_51, %mul3A_58 : i32
      %dma_start3A_60 = tpu.memref_slice %arg10[%mul3A_59] : memref<13312xf32, #tpu.memory_space<vmem>> -> memref<512xf32, #tpu.memory_space<vmem>>
      %dma_start3A_61 = tpu.memref_slice %arg9[%mul3A_59] : memref<13312xi32, #tpu.memory_space<vmem>> -> memref<512xi32, #tpu.memory_space<vmem>>
      %dma_start3A_62 = arith.constant 0 : i32
      %dma_start3A_63 = tpu.memref_slice %arg3[%dma_start3A_62] : memref<2599936xf32, #tpu.memory_space<hbm>> -> memref<2599936xf32, #tpu.memory_space<hbm>>
      %dma_start3A_64 = tpu.memref_slice %arg14[%scan3A_51] : memref<26x!tpu.dma_semaphore, #tpu.memory_space<semaphore_mem>> -> memref<1x!tpu.dma_semaphore, #tpu.memory_space<semaphore_mem>>
      %dma_start3A_65 = tpu.memref_squeeze %dma_start3A_64 : memref<1x!tpu.dma_semaphore, #tpu.memory_space<semaphore_mem>> -> memref<!tpu.dma_semaphore, #tpu.memory_space<semaphore_mem>>
      tpu.enqueue_indirect_dma source(%dma_start3A_63 : memref<2599936xf32, #tpu.memory_space<hbm>>) target(%dma_start3A_60 : memref<512xf32, #tpu.memory_space<vmem>>) offsets(%dma_start3A_61 : memref<512xi32, #tpu.memory_space<vmem>>) semaphore(%dma_start3A_65 : memref<!tpu.dma_semaphore, #tpu.memory_space<semaphore_mem>>)
    }
    %scan3A_7 = arith.constant 25 : i32
    %scan3A_8 = arith.constant 0 : i32
    %scan3A_9 = arith.constant 0 : i32
    %scan3A_10 = arith.constant 32 : i32
    %scan3A_11 = arith.addi %scan3A_9, %scan3A_10 : i32
    %scan3A_12 = arith.constant 1 : i32
    scf.for %scan3A_51 = %scan3A_9 to %scan3A_11 step %scan3A_12  : i32 {
      %mul3A_52 = arith.constant 16 : i32
      %mul3A_53 = arith.muli %scan3A_51, %mul3A_52 : i32
      %get3A_54 = arith.constant 25 : i32
      %get3A_55 = arith.index_cast %get3A_54 : i32 to index
      %get3A_56 = arith.index_cast %mul3A_53 : i32 to index
      %get3A_57 = tpu.vector_load %arg7[%get3A_55, %get3A_56] {strides = array<i32>} : memref<26x512xi32, #tpu.memory_space<vmem>>, vector<16xi32>,
      %add3A_58 = arith.constant 2500000 : i32
      %add3A_59 = vector.broadcast %add3A_58 : i32 to vector<16xi32>
      %add3A_60 = arith.addi %get3A_57, %add3A_59 : vector<16xi32>
      %swap3A = arith.index_cast %mul3A_53 : i32 to index
      %swap3A_61 = tpu.vector_load %arg8[%swap3A] {strides = array<i32>} : memref<512xi32, #tpu.memory_space<vmem>>, vector<16xi32>,
      tpu.vector_store %arg8[%swap3A], %add3A_60 {strides = array<i32>} : memref<512xi32, #tpu.memory_space<vmem>>, vector<16xi32>,
      %min3A = arith.constant 2599935 : i32
      %min3A_62 = vector.broadcast %min3A : i32 to vector<16xi32>
      %min3A_63 = arith.minsi %add3A_60, %min3A_62 : vector<16xi32>
      %mul3A_64 = arith.constant 16 : i32
      %mul3A_65 = arith.muli %scan3A_51, %mul3A_64 : i32
      %add3A_66 = arith.constant 12800 : i32
      %add3A_67 = arith.addi %add3A_66, %mul3A_65 : i32
      %swap3A_68 = arith.index_cast %add3A_67 : i32 to index
      %swap3A_69 = tpu.vector_load %arg9[%swap3A_68] {strides = array<i32>} : memref<13312xi32, #tpu.memory_space<vmem>>, vector<16xi32>,
      tpu.vector_store %arg9[%swap3A_68], %min3A_63 {strides = array<i32>} : memref<13312xi32, #tpu.memory_space<vmem>>, vector<16xi32>,
    }
    %scan3A_13 = arith.constant 32 : i32
    %dma_start3A = arith.constant 25 : i32
    %dma_start3A_14 = arith.constant 12800 : i32
    %dma_start3A_15 = tpu.memref_slice %arg10[%dma_start3A_14] : memref<13312xf32, #tpu.memory_space<vmem>> -> memref<512xf32, #tpu.memory_space<vmem>>
    %dma_start3A_16 = arith.constant 12800 : i32
    %dma_start3A_17 = tpu.memref_slice %arg9[%dma_start3A_16] : memref<13312xi32, #tpu.memory_space<vmem>> -> memref<512xi32, #tpu.memory_space<vmem>>
    %dma_start3A_18 = arith.constant 0 : i32
    %dma_start3A_19 = tpu.memref_slice %arg3[%dma_start3A_18] : memref<2599936xf32, #tpu.memory_space<hbm>> -> memref<2599936xf32, #tpu.memory_space<hbm>>
    %dma_start3A_20 = tpu.memref_slice %arg14[%dma_start3A] : memref<26x!tpu.dma_semaphore, #tpu.memory_space<semaphore_mem>> -> memref<1x!tpu.dma_semaphore, #tpu.memory_space<semaphore_mem>>
    %dma_start3A_21 = tpu.memref_squeeze %dma_start3A_20 : memref<1x!tpu.dma_semaphore, #tpu.memory_space<semaphore_mem>> -> memref<!tpu.dma_semaphore, #tpu.memory_space<semaphore_mem>>
    tpu.enqueue_indirect_dma source(%dma_start3A_19 : memref<2599936xf32, #tpu.memory_space<hbm>>) target(%dma_start3A_15 : memref<512xf32, #tpu.memory_space<vmem>>) offsets(%dma_start3A_17 : memref<512xi32, #tpu.memory_space<vmem>>) semaphore(%dma_start3A_21 : memref<!tpu.dma_semaphore, #tpu.memory_space<semaphore_mem>>)
    %get3A = arith.constant 0 : index
    %get3A_22 = tpu.vector_load %arg13[%get3A] {strides = array<i32>} : memref<16xf32, #tpu.memory_space<vmem>>, vector<16xf32>,
    %scan3A_23 = arith.constant 0 : i32
    %scan3A_24 = arith.constant 0 : i32
    %scan3A_25 = arith.constant 32 : i32
    %scan3A_26 = arith.addi %scan3A_24, %scan3A_25 : i32
    %scan3A_27 = arith.constant 1 : i32
    scf.for %scan3A_51 = %scan3A_24 to %scan3A_26 step %scan3A_27  : i32 {
      %mul3A_52 = arith.constant 16 : i32
      %mul3A_53 = arith.muli %scan3A_51, %mul3A_52 : i32
      %swap3A = arith.index_cast %mul3A_53 : i32 to index
      %swap3A_54 = tpu.vector_load %arg11[%swap3A] {strides = array<i32>} : memref<512xf32, #tpu.memory_space<vmem>>, vector<16xf32>,
      tpu.vector_store %arg11[%swap3A], %get3A_22 {strides = array<i32>} : memref<512xf32, #tpu.memory_space<vmem>>, vector<16xf32>,
    }
    %scan3A_28 = arith.constant 32 : i32
    %scan3A_29 = arith.constant 0 : i32
    %scan3A_30 = arith.constant 0 : i32
    %scan3A_31 = arith.constant 25 : i32
    %scan3A_32 = arith.addi %scan3A_30, %scan3A_31 : i32
    %scan3A_33 = arith.constant 1 : i32
    scf.for %scan3A_51 = %scan3A_30 to %scan3A_32 step %scan3A_33  : i32 {
      %mul3A_52 = arith.constant 512 : i32
      %mul3A_53 = arith.muli %scan3A_51, %mul3A_52 : i32
      %dma_wait3A_54 = tpu.memref_slice %arg10[%mul3A_53] : memref<13312xf32, #tpu.memory_space<vmem>> -> memref<512xf32, #tpu.memory_space<vmem>>
      %dma_wait3A_55 = tpu.memref_slice %arg9[%mul3A_53] : memref<13312xi32, #tpu.memory_space<vmem>> -> memref<512xi32, #tpu.memory_space<vmem>>
      %dma_wait3A_56 = arith.constant 0 : i32
      %dma_wait3A_57 = tpu.memref_slice %arg3[%dma_wait3A_56] : memref<2599936xf32, #tpu.memory_space<hbm>> -> memref<2599936xf32, #tpu.memory_space<hbm>>
      %dma_wait3A_58 = tpu.memref_slice %arg14[%scan3A_51] : memref<26x!tpu.dma_semaphore, #tpu.memory_space<semaphore_mem>> -> memref<1x!tpu.dma_semaphore, #tpu.memory_space<semaphore_mem>>
      %dma_wait3A_59 = tpu.memref_squeeze %dma_wait3A_58 : memref<1x!tpu.dma_semaphore, #tpu.memory_space<semaphore_mem>> -> memref<!tpu.dma_semaphore, #tpu.memory_space<semaphore_mem>>
      tpu.wait_indirect_dma semaphore(%dma_wait3A_59 : memref<!tpu.dma_semaphore, #tpu.memory_space<semaphore_mem>>) src(%dma_wait3A_57 : memref<2599936xf32, #tpu.memory_space<hbm>>) dst(%dma_wait3A_54 : memref<512xf32, #tpu.memory_space<vmem>>)
      %scan3A_60 = arith.constant 0 : i32
      %scan3A_61 = arith.constant 0 : i32
      %scan3A_62 = arith.constant 32 : i32
      %scan3A_63 = arith.addi %scan3A_61, %scan3A_62 : i32
      %scan3A_64 = arith.constant 1 : i32
      scf.for %scan3A_66 = %scan3A_61 to %scan3A_63 step %scan3A_64  : i32 {
        %mul3A_67 = arith.constant 16 : i32
        %mul3A_68 = arith.muli %scan3A_66, %mul3A_67 : i32
        %get3A_69 = arith.index_cast %mul3A_68 : i32 to index
        %get3A_70 = tpu.vector_load %arg11[%get3A_69] {strides = array<i32>} : memref<512xf32, #tpu.memory_space<vmem>>, vector<16xf32>,
        %mul3A_71 = arith.constant 512 : i32
        %mul3A_72 = arith.muli %scan3A_51, %mul3A_71 : i32
        %mul3A_73 = arith.constant 16 : i32
        %mul3A_74 = arith.muli %scan3A_66, %mul3A_73 : i32
        %add3A_75 = arith.addi %mul3A_72, %mul3A_74 : i32
        %get3A_76 = arith.index_cast %add3A_75 : i32 to index
        %get3A_77 = tpu.vector_load %arg10[%get3A_76] {strides = array<i32>} : memref<13312xf32, #tpu.memory_space<vmem>>, vector<16xf32>,
        %add3A_78 = arith.addf %get3A_70, %get3A_77 : vector<16xf32>
        %swap3A = arith.index_cast %mul3A_68 : i32 to index
        %swap3A_79 = tpu.vector_load %arg11[%swap3A] {strides = array<i32>} : memref<512xf32, #tpu.memory_space<vmem>>, vector<16xf32>,
        tpu.vector_store %arg11[%swap3A], %add3A_78 {strides = array<i32>} : memref<512xf32, #tpu.memory_space<vmem>>, vector<16xf32>,
      }
      %scan3A_65 = arith.constant 32 : i32
    }
    %scan3A_34 = arith.constant 25 : i32
    %dma_wait3A = arith.constant 25 : i32
    %dma_wait3A_35 = arith.constant 12800 : i32
    %dma_wait3A_36 = tpu.memref_slice %arg10[%dma_wait3A_35] : memref<13312xf32, #tpu.memory_space<vmem>> -> memref<512xf32, #tpu.memory_space<vmem>>
    %dma_wait3A_37 = arith.constant 12800 : i32
    %dma_wait3A_38 = tpu.memref_slice %arg9[%dma_wait3A_37] : memref<13312xi32, #tpu.memory_space<vmem>> -> memref<512xi32, #tpu.memory_space<vmem>>
    %dma_wait3A_39 = arith.constant 0 : i32
    %dma_wait3A_40 = tpu.memref_slice %arg3[%dma_wait3A_39] : memref<2599936xf32, #tpu.memory_space<hbm>> -> memref<2599936xf32, #tpu.memory_space<hbm>>
    %dma_wait3A_41 = tpu.memref_slice %arg14[%dma_wait3A] : memref<26x!tpu.dma_semaphore, #tpu.memory_space<semaphore_mem>> -> memref<1x!tpu.dma_semaphore, #tpu.memory_space<semaphore_mem>>
    %dma_wait3A_42 = tpu.memref_squeeze %dma_wait3A_41 : memref<1x!tpu.dma_semaphore, #tpu.memory_space<semaphore_mem>> -> memref<!tpu.dma_semaphore, #tpu.memory_space<semaphore_mem>>
    tpu.wait_indirect_dma semaphore(%dma_wait3A_42 : memref<!tpu.dma_semaphore, #tpu.memory_space<semaphore_mem>>) src(%dma_wait3A_40 : memref<2599936xf32, #tpu.memory_space<hbm>>) dst(%dma_wait3A_36 : memref<512xf32, #tpu.memory_space<vmem>>)
    %scan3A_43 = arith.constant 0 : i32
    %scan3A_44 = arith.constant 0 : i32
    %scan3A_45 = arith.constant 32 : i32
    %scan3A_46 = arith.addi %scan3A_44, %scan3A_45 : i32
    %scan3A_47 = arith.constant 1 : i32
    scf.for %scan3A_51 = %scan3A_44 to %scan3A_46 step %scan3A_47  : i32 {
      %mul3A_52 = arith.constant 16 : i32
      %mul3A_53 = arith.muli %scan3A_51, %mul3A_52 : i32
      %add3A_54 = arith.constant 12800 : i32
      %add3A_55 = arith.addi %add3A_54, %mul3A_53 : i32
      %get3A_56 = arith.index_cast %add3A_55 : i32 to index
      %get3A_57 = tpu.vector_load %arg10[%get3A_56] {strides = array<i32>} : memref<13312xf32, #tpu.memory_space<vmem>>, vector<16xf32>,
      %get3A_58 = arith.index_cast %mul3A_53 : i32 to index
      %get3A_59 = tpu.vector_load %arg8[%get3A_58] {strides = array<i32>} : memref<512xi32, #tpu.memory_space<vmem>>, vector<16xi32>,
      %sub3A = arith.constant 2599936 : i32
      %sub3A_60 = vector.broadcast %sub3A : i32 to vector<16xi32>
      %sub3A_61 = arith.subi %get3A_59, %sub3A_60 : vector<16xi32>
      %max3A = arith.constant 0 : i32
      %max3A_62 = vector.broadcast %max3A : i32 to vector<16xi32>
      %max3A_63 = arith.maxsi %sub3A_61, %max3A_62 : vector<16xi32>
      %gather3A = tpu.vector_load_idx %arg12[%max3A_63] : memref<64xf32, #tpu.memory_space<vmem>>[vector<16xi32>], vector<16xf32>,
      %get3A_64 = arith.index_cast %mul3A_53 : i32 to index
      %get3A_65 = tpu.vector_load %arg11[%get3A_64] {strides = array<i32>} : memref<512xf32, #tpu.memory_space<vmem>>, vector<16xf32>,
      %ge3A = arith.constant 2599936 : i32
      %ge3A_66 = vector.broadcast %ge3A : i32 to vector<16xi32>
      %ge3A_67 = arith.cmpi sge, %get3A_59, %ge3A_66 : vector<16xi32>
      %select_n3A = arith.select %ge3A_67, %gather3A, %get3A_57 : vector<16xi1>, vector<16xf32>
      %add3A_68 = arith.addf %get3A_65, %select_n3A : vector<16xf32>
      %neg3A = arith.constant 0.000000e+00 : f32
      %neg3A_69 = vector.broadcast %neg3A : f32 to vector<16xf32>
      %neg3A_70 = arith.subf %neg3A_69, %add3A_68 : vector<16xf32>
      %exp3A = math.exp %neg3A_70 : vector<16xf32>
      %add3A_71 = arith.constant 1.000000e+00 : f32
      %add3A_72 = vector.broadcast %add3A_71 : f32 to vector<16xf32>
      %add3A_73 = arith.addf %add3A_72, %exp3A : vector<16xf32>
      %div3A = arith.constant 1.000000e+00 : f32
      %div3A_74 = vector.broadcast %div3A : f32 to vector<16xf32>
      %div3A_75 = arith.divf %div3A_74, %add3A_73 : vector<16xf32>
      %swap3A = arith.index_cast %mul3A_53 : i32 to index
      %swap3A_76 = tpu.vector_load %arg11[%swap3A] {strides = array<i32>} : memref<512xf32, #tpu.memory_space<vmem>>, vector<16xf32>,
      tpu.vector_store %arg11[%swap3A], %div3A_75 {strides = array<i32>} : memref<512xf32, #tpu.memory_space<vmem>>, vector<16xf32>,
    }
    %scan3A_48 = arith.constant 32 : i32
    %mul3A_49 = arith.constant 512 : i32
    %mul3A_50 = arith.muli %add3A, %mul3A_49 : i32
    "tpu.region"() ({
      %run_scoped3A = tpu.sem_alloc : memref<!tpu.dma_semaphore, #tpu.memory_space<semaphore_mem>>
      %dma_start3A_51 = tpu.memref_slice %arg6[%mul3A_50] : memref<16384xf32, #tpu.memory_space<hbm>> -> memref<512xf32, #tpu.memory_space<hbm>>
      %dma_start3A_52 = tpu.memref_slice %arg6[%mul3A_50] : memref<16384xf32, #tpu.memory_space<hbm>> -> memref<512xf32, #tpu.memory_space<hbm>>
      tpu.enqueue_dma source(%arg11 : memref<512xf32, #tpu.memory_space<vmem>>) target(%dma_start3A_52 : memref<512xf32, #tpu.memory_space<hbm>>) target_semaphore(%run_scoped3A : memref<!tpu.dma_semaphore, #tpu.memory_space<semaphore_mem>>)
      %dma_wait3A_53 = tpu.memref_slice %arg6[%mul3A_50] : memref<16384xf32, #tpu.memory_space<hbm>> -> memref<512xf32, #tpu.memory_space<hbm>>
      %dma_wait3A_54 = tpu.memref_slice %arg6[%mul3A_50] : memref<16384xf32, #tpu.memory_space<hbm>> -> memref<512xf32, #tpu.memory_space<hbm>>
      tpu.wait_dma2 semaphore(%run_scoped3A : memref<!tpu.dma_semaphore, #tpu.memory_space<semaphore_mem>>) src(%arg11 : memref<512xf32, #tpu.memory_space<vmem>>) dst(%dma_wait3A_54 : memref<512xf32, #tpu.memory_space<hbm>>)
      tpu.yield
    }) : () -> ()
    return
  }
}

</mosaic_0001>

<sc_bundles>
// kernel: kernel.3.cloned.1.call-start
scs
__scs_entry_jumppad:
0x0: {  	(pc) =	sbr.rel $0x88, $3  }
0x1: {  	(tag) =	ssettag $0x0;
	lr =	simm.s32 $0x1  }
0x2: {  	[smem:$0x3F9E] =	sst lr;
	_ =	strace $0xD0000000  }
0x3: {  	_ = 	snop  }
0x4: {  	_ = 	snop  }
0x5: {  	_ = 	snop  }
0x6: {  	_ = 	snop  }
0x7: {  	_ = 	snop  }
__scs_overlays_trampoline_lowered:
0x8: {  	[smem:$0x3FAD] =	sst s0  }
0x9: {  	[smem:$0x3FAE] =	sst s1  }
0xa: {  	[smem:$0x3FAF] =	sst s2  }
0xb: {  	[smem:$0x3FB0] =	sst s3  }
0xc: {  	[smem:$0x3FB1] =	sst s4  }
0xd: {  	[smem:$0x3FB2] =	sst s5  }
0xe: {  	[smem:$0x3FB3] =	sst s6  }
0xf: {  	[smem:$0x3FB4] =	sst s7  }
0x10: {  	[smem:$0x3FB5] =	sst s8  }
0x11: {  	[smem:$0x3FB6] =	sst s9;
	s0 =	simm.s32 @!p0 $0x0  }
0x12: {  	s1 =	sld [smem:$0x3F9C];
	s0 =	simm.s32 @p0 $0x1  }
0x13: {  	[smem:$0x3FB7] =	sst s0;
	s0 =	simm.s32 @!p1 $0x0  }
0x14: {  	s2 =	sld [smem:$0x3F9B];
	s0 =	simm.s32 @p1 $0x1  }
0x15: {  	[smem:$0x3FB8] =	sst s0;
	s0 =	simm.s32 @!p2 $0x0  }
0x16: {  	s3 =	sld [smem:$0x3FDB];
	s0 =	simm.s32 @p2 $0x1  }
0x17: {  	s4 =	simm.s32 $0x1BF5;
	[smem:$0x3FBA] =	sst s0  }
0x18: {  	s0 =	sld [smem:$0x3F9D];
	_ =	swait.ge [sflag:s4], $0x0  }
0x19: {  	s7 =	sld [smem:$0x3F9E]  }
0x1a: {  	s8 =	sadd.s32 $0xFFFFE003, lr  }
0x1b: {  	s9 =	sadd.s32 $0xFFFFFEF7, lr;
	s5 =	simm.s32 $0xFFFFFFFF;
	p2 =	slt.u32 s8, $0xFFFFF086  }
0x1c: {  	p1 =	slt.u32 s9, $0xF7A;
	s5 =	simm.s32 @!p2 $0x0  }
0x1d: {  	s5 =	simm.s32 @p1 $0x1;
	p0 =	seq.s32 s7, s2  }
0x1e: {  	s7 =	smul.u32 @!p0 $0xF7A, s2;
	p2 =	seq.s32 @!p0 s5, $0x0  }
0x1f: {  	s9 =	smul.u32 $0xF7A, s1;
	s8 =	simm.s32 @!p0 $0x1BF5;
	p2 =	por !p2, p0  }
0x20: {  	[sflag:s8] =	ssyncset.s32 @!p0 $0xFFFFF086;
	s6 =	sadd.s32 @!p0 s3, s7;
	s7 =	simm.s32 @!p0 $0x108  }
0x21: {  	s3 =	sadd.s32 s3, s9;
	s6 =	sadd.s32 @!p0 $0x88, s6;
	s7 =	simm.s32 @p2 $0x1082  }
0x22: {  	[simem:s7], [sflag:s8] =	dma.local @!p0 [hbm:s6], $0xF7A  }
0x23: {  	s9 =	sor.u32 $0xD0000000, s2;
	s6 =	simm.s32 $0x108;
	_ =	swait.ge @!p0 [sflag:s8], $0x0  }
0x24: {  	s3 =	sadd.s32 $0x88, s3;
	s6 =	simm.s32 @!p1 $0x1082;
	[sflag:s4] =	ssyncset.s32 $0xFFFFF086  }
0x25: {  	[simem:s6], [sflag:s4] =	dma.local [hbm:s3], $0xF7A  }
0x26: {  	[smem:$0x3F9E] =	sst s1;
	(tag) =	ssettag s2;
	_ =	strace s9  }
0x27: {  	s1 =	sld [smem:$0x3FAE]  }
0x28: {  	s2 =	sld [smem:$0x3FAF]  }
0x29: {  	s4 =	sld [smem:$0x3FB1]  }
0x2a: {  	p0 =	seq.s32 s5, $0x0;
	s5 =	sld [smem:$0x3FB2]  }
0x2b: {  	s6 =	sld [smem:$0x3FB3]  }
0x2c: {  	s7 =	sld [smem:$0x3FB4]  }
0x2d: {  	s3 =	simm.s32 $0x108;
	s8 =	sld [smem:$0x3FB5]  }
0x2e: {  	s3 =	simm.s32 @!p0 $0x1082;
	s9 =	sld [smem:$0x3FB6]  }
0x2f: {  	lr =	sadd.s32 s0, s3;
	s0 =	sld [smem:$0x3FAD]  }
0x30: {  	s3 =	sld [smem:$0x3FB0]  }
0x31: {  	[smem:$0x3FB9] =	sst s10  }
0x32: {  	s10 =	sld [smem:$0x3FB7];
	_ =	sdelay $0x3  }
0x33: {  	p0 =	seq.s32 s10, $0x1;
	s10 =	sld [smem:$0x3FB9];
	_ =	sdelay $0x3  }
0x34: {  	[smem:$0x3FB9] =	sst s10  }
0x35: {  	s10 =	sld [smem:$0x3FB8];
	_ =	sdelay $0x3  }
0x36: {  	p1 =	seq.s32 s10, $0x1;
	s10 =	sld [smem:$0x3FB9];
	_ =	sdelay $0x3  }
0x37: {  	[smem:$0x3FB9] =	sst s10  }
0x38: {  	s10 =	sld [smem:$0x3FBA]  }
0x39: {  	_ = 	snop;
	(pc) =	sbr.ind lr, $3  }
0x3a: {  	_ = 	snop  }
0x3b: {  	_ = 	snop  }
0x3c: {  	p2 =	seq.s32 s10, $0x1;
	s10 =	sld [smem:$0x3FB9]  }
0x3d: {  	_ =	shalt  }
0x3e: {  	_ =	shalt  }
0x3f: {  	_ =	shalt  }
0x40: {  	_ =	shalt  }
0x41: {  	_ =	shalt  }
0x42: {  	_ =	shalt  }
0x43: {  	_ =	shalt  }
0x44: {  	_ =	shalt  }
0x45: {  	_ =	shalt  }
0x46: {  	_ =	shalt  }
0x47: {  	_ =	shalt  }
0x48: {  	_ =	shalt  }
0x49: {  	_ =	shalt  }
0x4a: {  	_ =	shalt  }
0x4b: {  	_ =	shalt  }
0x4c: {  	_ =	shalt  }
0x4d: {  	_ =	shalt  }
0x4e: {  	_ =	shalt  }
0x4f: {  	_ =	shalt  }
0x50: {  	_ =	shalt  }
0x51: {  	_ =	shalt  }
0x52: {  	_ =	shalt  }
0x53: {  	_ =	shalt  }
0x54: {  	_ =	shalt  }
0x55: {  	_ =	shalt  }
0x56: {  	_ =	shalt  }
0x57: {  	_ =	shalt  }
0x58: {  	_ =	shalt  }
0x59: {  	_ =	shalt  }
0x5a: {  	_ =	shalt  }
0x5b: {  	_ =	shalt  }
0x5c: {  	_ =	shalt  }
0x5d: {  	_ =	shalt  }
0x5e: {  	_ =	shalt  }
0x5f: {  	_ =	shalt  }
0x60: {  	_ =	shalt  }
0x61: {  	_ =	shalt  }
0x62: {  	_ =	shalt  }
0x63: {  	_ =	shalt  }
0x64: {  	_ =	shalt  }
0x65: {  	_ =	shalt  }
0x66: {  	_ =	shalt  }
0x67: {  	_ =	shalt  }
0x68: {  	_ =	shalt  }
0x69: {  	_ =	shalt  }
0x6a: {  	_ =	shalt  }
0x6b: {  	_ =	shalt  }
0x6c: {  	_ =	shalt  }
0x6d: {  	_ =	shalt  }
0x6e: {  	_ =	shalt  }
0x6f: {  	_ =	shalt  }
0x70: {  	_ =	shalt  }
0x71: {  	_ =	shalt  }
0x72: {  	_ =	shalt  }
0x73: {  	_ =	shalt  }
0x74: {  	_ =	shalt  }
0x75: {  	_ =	shalt  }
0x76: {  	_ =	shalt  }
0x77: {  	_ =	shalt  }
0x78: {  	_ =	shalt  }
0x79: {  	_ =	shalt  }
0x7a: {  	_ =	shalt  }
0x7b: {  	_ =	shalt  }
0x7c: {  	_ =	shalt  }
0x7d: {  	_ =	shalt  }
0x7e: {  	_ =	shalt  }
0x7f: {  	_ =	shalt  }
0x80: {  	_ =	shalt  }
0x81: {  	_ =	shalt  }
0x82: {  	_ =	shalt  }
0x83: {  	_ =	shalt  }
0x84: {  	_ =	shalt  }
0x85: {  	_ =	shalt  }
0x86: {  	_ =	shalt  }
0x87: {  	_ =	shalt  }
.Lfunc_end0:
.L_simem_size_0:
called_computation_lowered:
.L_overlay_start_0:
0x88: {  	s2 =	sld [smem:$0x3FD9]  }
0x89: {  	s3 =	sld [smem:$0x3FFE];
	_ =	sdelay $0x1  }
0x8a: {  	s1 =	srdreg.scid  }
0x8b: {  	s0 =	sand.u32 $0x1, s1  }
0x8c: {  	s17 =	sshll.u32 s0, $0xA;
	s2 =	sadd.s32 s3, s2  }
0x8d: {  	s2 =	sadd.s32 s2, s17  }
0x8e: {  	[smem:$0x3FC5] =	sst s2  }
0x8f: {  	_ = 	snop  }
0x90: {  	s2 =	sld [smem:$0x3FC9]  }
0x91: {  	s18 =	sld [smem:$0x3FD0];
	(tm) =	ssettm $0x1  }
0x92: {  	s4 =	sld [smem:$0x3FFB];
	_ =	sdelay $0x3  }
0x93: {  	_ =	strace s4  }
0x94: {  	s4 =	sld [smem:$0x3FFC];
	_ =	sdelay $0x3  }
0x95: {  	_ =	strace s4  }
0x96: {  	s4 =	sld [smem:$0x3FFD];
	_ =	sdelay $0x3  }
0x97: {  	_ =	strace s4  }
0x98: {  	_ =	strace $0x8FFFFFFF  }
0x99: {  	s19 =	sld [smem:$0x3FDB];
	_ =	sdelay $0x1  }
0x9a: {  	s5 =	simm.s32 $_scs_section_size  }
0x9b: {  	s6 =	simm.s32 $_size__tile_overlayer_lowered;
	s7 =	simm.s32 $_tile_overlayer_lowered  }
0x9c: {  	s22 =	simm.s32 $0x1BFF;
	s21 =	sshll.u32 s7, $0x1;
	s4 =	sadd.s32 s5, s19  }
0x9d: {  	s8 =	simm.s32 $0x0;
	s20 =	sshll.u32 s6, $0x1;
	s6 =	sadd.s32 s21, s4  }
0x9e: {  	[timem:s8], [sflag:s22] =	dma.local [hbm:s6], s20  }
0x9f: {  	_ =	swait.ge [sflag:s22], s20  }
0xa0: {  	s5 =	ssub.s32 $0x0, s20;
	[sflag:s22] =	ssyncset.done $0x0  }
0xa1: {  	[sflag:s22] =	ssyncadd.s32 s5;
	_ =	sdelay $0x1  }
0xa2: {  	s23 =	simm.s32 $0x1B8B  }
0xa3: {  	_ =	swait.ge [sflag:s23], $0x1  }
0xa4: {  	[sflag:s23] =	ssyncset.done $0x0  }
0xa5: {  	s25 =	simm.s32 $0x1B8E;
	s24 =	sld [smem:$0x3FFE];
	[sflag:s23] =	ssyncadd.s32 $0xFFFFFFFF  }
0xa6: {  	s26 =	simm.s32 $execute0_lowered;
	[smem:$0x3FD2] =	sst s25  }
0xa7: {  	s6 =	sshll.u32 s26, $0x1;
	_ =	strace $0x80000046;
	[dreg:$0x1] =	wrdreg $0xFFFFFFFF  }
0xa8: {  	s28 =	simm.s32 $_size_execute0_lowered;
	s4 =	sadd.s32 s4, s6;
	[dreg:$0x0] =	wrdreg $0x0  }
0xa9: {  	s6 =	sshll.u32 s28, $0x1;
	[dreg:$0x2] =	wrdreg s4  }
0xaa: {  	[dreg:$0x3] =	wrdreg s6  }
0xab: {  	[dreg:$0x4] =	wrdreg $0xC0  }
0xac: {  	_ =	task [dreg:s8], $0x5FFFF  }
0xad: {  	[dreg:$0x1] =	wrdreg $0xFFFFFFFF  }
0xae: {  	[dreg:$0x0] =	wrdreg $0x60  }
0xaf: {  	[dreg:$0x2] =	wrdreg s2  }
0xb0: {  	[dreg:$0x3] =	wrdreg s24  }
0xb1: {  	[dreg:$0x4] =	wrdreg s18  }
0xb2: {  	[dreg:$0x5] =	wrdreg $0x9  }
0xb3: {  	_ =	task.clear_ibuf [dreg:s8], $0x6FFFF;
	_ =	strace $0x90000046  }
0xb4: {  	s29 =	simm.s32 $0x9;
	_ =	strace $0x80000048  }
0xb5: {  	_ =	swait.ge [sflag:s29], $0x1  }
0xb6: {  	[sflag:s29] =	ssyncadd.s32 $0xFFFFFFFF  }
0xb7: {  	_ =	strace $0x90000048  }
0xb8: {  	_ =	sfence  }
0xb9: {  	s30 =	sld [smem:$0x0];
	_ =	sdelay $0x2  }
0xba: {  	s31 =	sshll.u32 s1, $0xD;
	s1 =	sshrl.u32 s1, $0x2  }
0xbb: {  	s3 =	sand.u32 $0x4000, s31;
	s1 =	sadd.s32 s1, s30  }
0xbc: {  	s0 =	sor.u32 s3, s0;
	s1 =	sshll.u32 s1, $0x11  }
0xbd: {  	s0 =	sor.u32 s1, s0  }
0xbe: {  	s0 =	sadd.s32 $0x8F2B, s0  }
0xbf: {  	[sflag:s0] =	ssyncadd.remote.s32 $0x1  }
0xc0: {  	_ =	sfence.sel $0xFFFF  }
0xc1: {  	[dreg:$0x0] =	wrdreg $0xFFFFFFFF;
	(pc) =	sbr.abs _section_cstart, $3  }
0xc2: {  	[dreg:$0x1] =	wrdreg $0xFFFFFFFF  }
0xc3: {  	_ =	task.clear_ibuf [dreg:s8], $0x2FFFF;
	_ =	strace $0x9FFFFFFF  }
0xc4: {  	(tm) =	ssettm $0x7FFFFFFF  }
0xc5: {  	_ =	shalt  }
tec
execute0_lowered:
.L_overlay_start_1:
0x0: {  	(tag) =	ssettag $0x1  }
0x1: {  	s6 =	rddreg [dreg:$0x0]  }
0x2: {  	s5 =	rddreg [dreg:$0x1]  }
0x3: {  	s7 =	rddreg [dreg:$0x2]  }
0x4: {  	s0 =	rddreg [dreg:$0x3]  }
0x5: {  	s2 =	simm.s32 $0x0;
	s3 =	srdreg.scid;
	s1 =	stileid.u32  }
0x6: {  	s12 =	simm.s32 $0xAC80;
	s13 =	simm.s32 $0xAC00;
	s14 =	simm.s32 $0x200  }
0x7: {  	s15 =	simm.s32 $0x7400;
	s16 =	simm.s32 $0xA800;
	s17 =	simm.s32 $0x1A  }
0x8: {  	s18 =	simm.s32 $0xAA00;
	s19 =	simm.s32 $0x0;
	[smem:$0x7FF] =	sst s2  }
0x9: {  	s8 =	sand.u32 $0x1, s3;
	s3 =	sadd.s32 $0x600, s5;
	s9 =	sshll.u32 s1, $0xA  }
0xa: {  	s4 =	sadd.s32 $0x400, s5;
	s5 =	sadd.s32 $0x4FC00, s5;
	s10 =	sshll.u32 s8, $0x9  }
0xb: {  	_ =	strace $0x80000047;
	s8 =	ssub.s32 $0x2, s8;
	s9 =	sor.u32 s10, s9  }
0xc: {  	s31 =	sshrl.u32 s8, $0x1;
	s10 =	simm.s32 $0x20000;
	s11 =	sshrl.u32 s9, $0x3  }
0xd: {  	s8 =	ssub.s32 s8, s31;
	s6 =	sadd.s32 s6, s9;
	s9 =	simm.s32 $0x1000  }
0xe: {  	s7 =	sadd.s32 s7, s11;
	s8 =	smax.u32 s8, $0x1;
	s11 =	simm.s32 $0x1B  }
.LBB2_1:
0xf: {  	[tilespmem:s2], [sflag:$0x1B] =	stream.strided.gather [hbm4b:s6+s9], $0x4000, s10, s9, $0x38;
	[tilespmem:$0xAD00] =	vst v63  }
0x10: {  	_ =	swait.ge [sflag:s11], $0x4000  }
0x11: {  	[sflag:s11] =	ssyncset.done $0x0  }
0x12: {  	[sflag:s11] =	ssyncadd.s32 $0xFFFFC000  }
0x13: {  	[tilespmem:s12], [sflag:$0x1B] =	stream.linear.gather [hbm4b:s5+s2], $0x80, $0x38;
	[tilespmem:$0xAD00] =	vst v63  }
0x14: {  	_ =	swait.ge [sflag:s11], $0x80  }
0x15: {  	[sflag:s11] =	ssyncset.done $0x0  }
0x16: {  	[sflag:s11] =	ssyncadd.s32 $0xFFFFFF80  }
0x17: {  	[tilespmem:s13], [sflag:$0x1B] =	stream.linear.gather [hbm4b:s4+s2], $0x80, $0x38;
	[tilespmem:$0xAD00] =	vst v63  }
0x18: {  	_ =	swait.ge [sflag:s11], $0x80  }
0x19: {  	[sflag:s11] =	ssyncset.done $0x0  }
0x1a: {  	s20 =	simm.s32 $0x0;
	[sflag:s11] =	ssyncadd.s32 $0xFFFFFF80  }
.LBB2_2:
0x1b: {  	s21 =	sshll.u32 s20, $0x9;
	s22 =	sshll.u32 s20, $0x7  }
0x1c: {  	s28 =	simm.s32 $0x0;
	s23 =	sand.u32 $0x3000, s21;
	s22 =	sand.u32 $0x380, s22  }
0x1d: {  	s25 =	sand.u32 $0xC00, s28;
	s22 =	sor.u32 s22, s23  }
0x1e: {  	s24 =	sand.u32 $0x70, s28;
	s23 =	sadd.s32 s25, s22  }
0x1f: {  	s23 =	sadd.s32 s24, s23  }
0x20: {  	v1 =	vld [tilespmem:s23+$0x0];
	_ =	sdelay $0x1  }
0x21: {  	s26 =	smul.u32 $0x186A0, s20;
	_ =	sdelay $0x1  }
0x22: {  	s29 =	simm.s32 $0x20;
	s31 =	sand.u32 $0x180, s28;
	v0 =	vmov s26;
	s25 =	sand.u32 $0x3FFFFE00, s21  }
0x23: {  	s28 =	simm.s32 $0x80;
	s23 =	sadd.s32 $0x4200, s25;
	s25 =	simm.s32 $0x10;
	v1 =	vadd.s32 v0, v1  }
0x24: {  	s30 =	sand.u32 $0xC00, s28;
	s26 =	sand.u32 $0x70, s25;
	s31 =	sadd.s32 s31, s23;
	vm0 =	vlt.s32 v1, $0x27ABFF  }
.LBB2_3:
0x25: {  	p0 =	sne.s32 s29, $0x1F0;
	s30 =	sadd.s32 s30, s22;
	v1 =	vnsel vm0, $0x27ABFF, v1;
	s24 =	sadd.s32 s24, s31  }
0x26: {  	s31 =	smov.u32 s25;
	s30 =	sadd.s32 s26, s30;
	[tilespmem:s24+$0x0] =	vst v1;
	s24 =	smov.u32 s26  }
0x27: {  	s25 =	smov.u32 s29;
	v1 =	vld [tilespmem:s30+$0x0];
	_ =	sdelay $0x1  }
.Ltmp0:
0x28: {  	(pc) =	sbr.rel @p0 .LBB2_3-.Ltmp0, $3  }
0x29: {  	_ =	sdelay $0x1  }
0x2a: {  	s28 =	sadd.s32 $0x80, s28;
	s26 =	sand.u32 $0x70, s29;
	s31 =	sand.u32 $0x180, s31;
	v1 =	vadd.s32 v0, v1  }
0x2b: {  	s29 =	sadd.s32 $0x10, s29;
	s30 =	sand.u32 $0xC00, s28;
	s31 =	sadd.s32 s31, s23;
	vm0 =	vlt.s32 v1, $0x27ABFF  }
0x2c: {  	s22 =	sadd.s32 s30, s22;
	v1 =	vnsel vm0, $0x27ABFF, v1;
	s24 =	sadd.s32 s24, s31  }
0x2d: {  	s22 =	sadd.s32 s26, s22;
	[tilespmem:s24+$0x0] =	vst v1  }
0x2e: {  	v1 =	vld [tilespmem:s22+$0x0];
	_ =	sdelay $0x2  }
0x2f: {  	s20 =	sadd.s32 $0x1, s20  }
0x30: {  	p0 =	sne.s32 s20, $0x19  }
.Ltmp1:
0x31: {  	s29 =	sand.u32 $0x180, s25;
	v0 =	vadd.s32 v0, v1;
	(pc) =	sbr.rel @p0 .LBB2_2-.Ltmp1, $4  }
0x32: {  	s22 =	sadd.s32 s29, s23;
	vm15 =	vlt.s32 v0, $0x27ABFF  }
0x33: {  	s22 =	sadd.s32 s26, s22;
	v0 =	vnsel vm15, $0x27ABFF, v0  }
0x34: {  	s30 =	sadd.s32 $0x7600, s21;
	s31 =	sadd.s32 $0x4200, s21;
	[tilespmem:s22+$0x0] =	vst v0  }
0x35: {  	[tilespmem:s30], [sflag:s20] =	stream.indirect.gather [hbm4b:s3+s14], $0x1, s31, s14, $0xb8;
	[tilespmem:$0xAD00] =	vst v63  }
0x36: {  	s25 =	simm.s32 $0x0  }
0x37: {  	s20 =	sand.u32 $0x3000, s25  }
0x38: {  	s21 =	sand.u32 $0x70, s25;
	s20 =	sshrl.u32 s20, $0x2  }
0x39: {  	s20 =	sor.u32 s21, s20  }
0x3a: {  	v0 =	vld [tilespmem:s20+$0x3080];
	_ =	sdelay $0x4  }
0x3b: {  	s22 =	simm.s32 $0x200;
	s23 =	simm.s32 $0x20;
	s21 =	simm.s32 $0x4000;
	v0 =	vadd.s32 $0x2625A0, v0  }
0x3c: {  	s24 =	sand.u32 $0x3000, s22;
	s25 =	sand.u32 $0x1F0, s25;
	s20 =	simm.s32 $0x10;
	[tilespmem:s21+$0x0] =	vst v0;
	vm0 =	vlt.s32 v0, $0x27ABFF  }
.LBB2_6:
0x3d: {  	p0 =	sne.s32 s23, $0x1F0;
	s26 =	sand.u32 $0x70, s20;
	s24 =	sshrl.u32 s24, $0x2;
	v0 =	vnsel vm0, $0x27ABFF, v0  }
0x3e: {  	s24 =	sor.u32 s26, s24;
	[tilespmem:s25+$0x7400] =	vst v0;
	s25 =	smov.u32 s20;
	s20 =	smov.u32 s23  }
0x3f: {  	v0 =	vld [tilespmem:s24+$0x3080];
	_ =	sdelay $0x1  }
.Ltmp2:
0x40: {  	(pc) =	sbr.rel @p0 .LBB2_6-.Ltmp2, $3  }
0x41: {  	_ =	sdelay $0x1  }
0x42: {  	s22 =	sadd.s32 $0x200, s22;
	s21 =	sadd.s32 $0x10, s21;
	v0 =	vadd.s32 $0x2625A0, v0  }
0x43: {  	s23 =	sadd.s32 $0x10, s23;
	s24 =	sand.u32 $0x3000, s22;
	s25 =	sand.u32 $0x1F0, s25;
	[tilespmem:s21+$0x0] =	vst v0;
	vm0 =	vlt.s32 v0, $0x27ABFF  }
0x44: {  	s22 =	sand.u32 $0x70, s20;
	s23 =	sshrl.u32 s24, $0x2;
	v0 =	vnsel vm0, $0x27ABFF, v0  }
0x45: {  	s22 =	sor.u32 s22, s23;
	[tilespmem:s25+$0x7400] =	vst v0  }
0x46: {  	v0 =	vld [tilespmem:s22+$0x3080];
	_ =	sdelay $0x4  }
0x47: {  	v0 =	vadd.s32 $0x2625A0, v0  }
0x48: {  	s21 =	sadd.s32 $0x10, s21;
	vm15 =	vlt.s32 v0, $0x27ABFF  }
0x49: {  	s31 =	sand.u32 $0x1F0, s20;
	[tilespmem:s21+$0x0] =	vst v0;
	v0 =	vnsel vm15, $0x27ABFF, v0  }
0x4a: {  	[tilespmem:s31+$0x7400] =	vst v0  }
0x4b: {  	[tilespmem:s16], [sflag:$0x1A] =	stream.indirect.gather [hbm4b:s3+s14], $0x1, s15, s14, $0xb8;
	[tilespmem:$0xAD00] =	vst v63  }
0x4c: {  	v0 =	vld [tilespmem:$0xAC80];
	_ =	sdelay $0x4  }
0x4d: {  	[tilespmem:$0xAA00] =	vst v0  }
0x4e: {  	[tilespmem:$0xAA10] =	vst v0  }
0x4f: {  	[tilespmem:$0xAA20] =	vst v0  }
0x50: {  	[tilespmem:$0xAA30] =	vst v0  }
0x51: {  	[tilespmem:$0xAA40] =	vst v0  }
0x52: {  	[tilespmem:$0xAA50] =	vst v0  }
0x53: {  	[tilespmem:$0xAA60] =	vst v0  }
0x54: {  	[tilespmem:$0xAA70] =	vst v0  }
0x55: {  	[tilespmem:$0xAA80] =	vst v0  }
0x56: {  	[tilespmem:$0xAA90] =	vst v0  }
0x57: {  	[tilespmem:$0xAAA0] =	vst v0  }
0x58: {  	[tilespmem:$0xAAB0] =	vst v0  }
0x59: {  	[tilespmem:$0xAAC0] =	vst v0  }
0x5a: {  	[tilespmem:$0xAAD0] =	vst v0  }
0x5b: {  	[tilespmem:$0xAAE0] =	vst v0  }
0x5c: {  	[tilespmem:$0xAAF0] =	vst v0  }
0x5d: {  	[tilespmem:$0xAB00] =	vst v0  }
0x5e: {  	[tilespmem:$0xAB10] =	vst v0  }
0x5f: {  	[tilespmem:$0xAB20] =	vst v0  }
0x60: {  	[tilespmem:$0xAB30] =	vst v0  }
0x61: {  	[tilespmem:$0xAB40] =	vst v0  }
0x62: {  	[tilespmem:$0xAB50] =	vst v0  }
0x63: {  	[tilespmem:$0xAB60] =	vst v0  }
0x64: {  	[tilespmem:$0xAB70] =	vst v0  }
0x65: {  	[tilespmem:$0xAB80] =	vst v0  }
0x66: {  	[tilespmem:$0xAB90] =	vst v0  }
0x67: {  	[tilespmem:$0xABA0] =	vst v0  }
0x68: {  	[tilespmem:$0xABB0] =	vst v0  }
0x69: {  	[tilespmem:$0xABC0] =	vst v0  }
0x6a: {  	[tilespmem:$0xABD0] =	vst v0  }
0x6b: {  	[tilespmem:$0xABE0] =	vst v0  }
0x6c: {  	s20 =	simm.s32 $0x0;
	s21 =	simm.s32 $0x0;
	[tilespmem:$0xABF0] =	vst v0  }
.LBB2_8:
0x6d: {  	s22 =	sshll.u32 s21, $0x9  }
0x6e: {  	s21 =	sadd.s32 $0x1, s21;
	s22 =	sand.u32 $0x3FFFFE00, s22  }
0x6f: {  	s23 =	sand.u32 $0x180, s20;
	_ =	swait.ge [sflag:s21], $0x200;
	s22 =	sadd.s32 $0x7600, s22  }
0x70: {  	s24 =	sand.u32 $0x70, s20;
	[sflag:s21] =	ssyncset.done $0x0;
	s23 =	sadd.s32 s23, s22  }
0x71: {  	[sflag:s21] =	ssyncadd.s32 $0xFFFFFE00;
	s24 =	sadd.s32 s24, s23  }
0x72: {  	s23 =	simm.s32 $0xAA00;
	v0 =	vld [tilespmem:s24+$0x0]  }
0x73: {  	v1 =	vld [tilespmem:s23+$0x0];
	_ =	sdelay $0x3  }
0x74: {  	s31 =	simm.s32 $0x10  }
0x75: {  	s26 =	sand.u32 $0x180, s31;
	v0 =	vadd.f32 v0, v1  }
0x76: {  	s25 =	sand.u32 $0x70, s31;
	s26 =	sadd.s32 s26, s22;
	s24 =	simm.s32 $0x20  }
.LBB2_9:
0x77: {  	p0 =	sne.s32 s24, $0x1F0;
	s25 =	sadd.s32 s25, s26;
	[tilespmem:s23+$0x0] =	vst v0  }
0x78: {  	s23 =	sadd.s32 $0x10, s23;
	v0 =	vld [tilespmem:s25+$0x0]  }
0x79: {  	v1 =	vld [tilespmem:s23+$0x0];
	_ =	sdelay $0x1  }
.Ltmp3:
0x7a: {  	(pc) =	sbr.rel @p0 .LBB2_9-.Ltmp3, $3  }
0x7b: {  	_ =	sdelay $0x1  }
0x7c: {  	s26 =	sand.u32 $0x180, s24;
	v0 =	vadd.f32 v0, v1  }
0x7d: {  	s25 =	sand.u32 $0x70, s24;
	s26 =	sadd.s32 s26, s22;
	s24 =	sadd.s32 $0x10, s24  }
0x7e: {  	s22 =	sadd.s32 s25, s26;
	[tilespmem:s23+$0x0] =	vst v0  }
0x7f: {  	s31 =	sadd.s32 $0x10, s23;
	v0 =	vld [tilespmem:s22+$0x0]  }
0x80: {  	v1 =	vld [tilespmem:s31+$0x0];
	_ =	sdelay $0x1  }
0x81: {  	p0 =	sne.s32 s21, $0x19  }
.Ltmp4:
0x82: {  	_ = 	snop;
	(pc) =	sbr.rel @p0 .LBB2_8-.Ltmp4, $3  }
0x83: {  	_ = 	snop  }
0x84: {  	v0 =	vadd.f32 v0, v1;
	_ =	sdelay $0x1  }
0x85: {  	[tilespmem:s31+$0x0] =	vst v0  }
0x86: {  	_ =	swait.ge [sflag:s17], $0x200  }
0x87: {  	[sflag:s17] =	ssyncset.done $0x0  }
0x88: {  	s20 =	simm.s32 $0x4000;
	[sflag:s17] =	ssyncadd.s32 $0xFFFFFE00  }
0x89: {  	v0 =	vld [tilespmem:s20+$0x0];
	_ =	sdelay $0x4  }
0x8a: {  	v1 =	vadd.s32 $0xFFD85400, v0  }
0x8b: {  	vm0 =	vgt.s32 v1, $0x0  }
0x8c: {  	v1 =	vnsel vm0, $0x0, v1;
	_ =	sdelay $0x1  }
0x8d: {  	s31 =	simm.s32 $0x0  }
0x8e: {  	s21 =	sand.u32 $0x1F0, s31  }
0x8f: {  	v2 =	vld [tilespmem:s21+$0xA800]  }
0x90: {  	s20 =	simm.s32 $0xAA00;
	v1 =	vld.idx.msk [tilespmem:v1+s13+$0x0], $0xffff  }
0x91: {  	v3 =	vld [tilespmem:s20+$0x0];
	_ =	sdelay $0x2  }
0x92: {  	vm15 =	vgt.s32 v0, $0x27ABFF  }
0x93: {  	v0 =	vsel vm15, v1, v2  }
0x94: {  	v0 =	vadd.f32 v0, v3;
	_ =	sdelay $0x1  }
0x95: {  	v0 =	vsub.f32 $0.0e+00, v0;
	_ =	sdelay $0x1  }
0x96: {  	v0 =	vmul.f32 $1.442695020e+00, v0;
	_ =	sdelay $0x1  }
0x97: {  	(erf) = vpow2.f32 v0;
	_ =	sdelay $0x8  }
0x98: {  	v0 =	vpop (erf)  }
0x99: {  	v0 =	vadd.f32 $1.000000000e+00, v0;
	_ =	sdelay $0x1  }
0x9a: {  	(erf) = vrcp.f32 v0;
	_ =	sdelay $0x8  }
0x9b: {  	v0 =	vpop (erf)  }
0x9c: {  	s22 =	simm.s32 $0x4010;
	[tilespmem:s20+$0x0] =	vst v0  }
0x9d: {  	s23 =	simm.s32 $0x20;
	s21 =	simm.s32 $0x10;
	v0 =	vld [tilespmem:s22+$0x0]  }
.LBB2_12:
0x9e: {  	p0 =	sne.s32 s23, $0x1F0;
	_ =	sdelay $0x3  }
0x9f: {  	v1 =	vadd.s32 $0xFFD85400, v0  }
0xa0: {  	vm0 =	vgt.s32 v1, $0x0  }
0xa1: {  	v1 =	vnsel vm0, $0x0, v1;
	_ =	sdelay $0x4  }
0xa2: {  	s24 =	sand.u32 $0x1F0, s21;
	s21 =	smov.u32 s23;
	v1 =	vld.idx.msk [tilespmem:v1+s13+$0x0], $0xffff  }
0xa3: {  	s20 =	sadd.s32 $0x10, s20;
	v2 =	vld [tilespmem:s24+$0xA800]  }
0xa4: {  	v3 =	vld [tilespmem:s20+$0x0];
	_ =	sdelay $0x2  }
0xa5: {  	vm0 =	vgt.s32 v0, $0x27ABFF  }
0xa6: {  	v0 =	vsel vm0, v1, v2  }
0xa7: {  	v0 =	vadd.f32 v0, v3;
	_ =	sdelay $0x1  }
0xa8: {  	v0 =	vsub.f32 $0.0e+00, v0;
	_ =	sdelay $0x1  }
0xa9: {  	v0 =	vmul.f32 $1.442695020e+00, v0;
	_ =	sdelay $0x1  }
0xaa: {  	(erf) = vpow2.f32 v0;
	_ =	sdelay $0x8  }
0xab: {  	v0 =	vpop (erf)  }
0xac: {  	v0 =	vadd.f32 $1.000000000e+00, v0;
	_ =	sdelay $0x1  }
0xad: {  	(erf) = vrcp.f32 v0;
	_ =	sdelay $0x6  }
.Ltmp5:
0xae: {  	(pc) =	sbr.rel @p0 .LBB2_12-.Ltmp5, $4  }
0xaf: {  	_ = 	snop  }
0xb0: {  	v0 =	vpop (erf)  }
0xb1: {  	s22 =	sadd.s32 $0x10, s22;
	[tilespmem:s20+$0x0] =	vst v0  }
0xb2: {  	s23 =	sadd.s32 $0x10, s23;
	v0 =	vld [tilespmem:s22+$0x0]  }
0xb3: {  	_ =	sdelay $0x3  }
0xb4: {  	v1 =	vadd.s32 $0xFFD85400, v0  }
0xb5: {  	vm0 =	vgt.s32 v1, $0x0  }
0xb6: {  	v1 =	vnsel vm0, $0x0, v1;
	_ =	sdelay $0x2  }
0xb7: {  	s21 =	sand.u32 $0x1F0, s21  }
0xb8: {  	v2 =	vld [tilespmem:s21+$0xA800]  }
0xb9: {  	s20 =	sadd.s32 $0x10, s20;
	v1 =	vld.idx.msk [tilespmem:v1+s13+$0x0], $0xffff  }
0xba: {  	v3 =	vld [tilespmem:s20+$0x0];
	_ =	sdelay $0x2  }
0xbb: {  	vm15 =	vgt.s32 v0, $0x27ABFF  }
0xbc: {  	v0 =	vsel vm15, v1, v2  }
0xbd: {  	v0 =	vadd.f32 v0, v3;
	_ =	sdelay $0x1  }
0xbe: {  	v0 =	vsub.f32 $0.0e+00, v0;
	_ =	sdelay $0x1  }
0xbf: {  	v0 =	vmul.f32 $1.442695020e+00, v0;
	_ =	sdelay $0x1  }
0xc0: {  	(erf) = vpow2.f32 v0;
	_ =	sdelay $0x8  }
0xc1: {  	v0 =	vpop (erf)  }
0xc2: {  	v0 =	vadd.f32 $1.000000000e+00, v0;
	_ =	sdelay $0x1  }
0xc3: {  	(erf) = vrcp.f32 v0;
	_ =	sdelay $0x7  }
0xc4: {  	s19 =	sadd.s32 $0x1, s19  }
0xc5: {  	p0 =	sne.s32 s19, s8;
	v0 =	vpop (erf)  }
.Ltmp6:
0xc6: {  	[tilespmem:s20+$0x0] =	vst v0;
	(pc) =	sbr.rel @p0 .LBB2_1-.Ltmp6, $4  }
0xc7: {  	[hbm4b:s7+s2] =	stream.linear.scatter [tilespmem:s18], [sflag:$0x1B], $0x200, $0x38;
	[tilespmem:$0xAD00] =	vst v63  }
0xc8: {  	_ =	swait.ge [sflag:s11], $0x200  }
0xc9: {  	[sflag:s11] =	ssyncset.done $0x0  }
0xca: {  	[sflag:s11] =	ssyncadd.s32 $0xFFFFFE00  }
0xcb: {  	_ =	sfence.sel $0x180000  }
0xcc: {  	[bflag:$0x0] =	sbarrier.arrive $0xFFFF  }
0xcd: {  	p0 =	sne.s32 s1, $0x0;
	_ =	strace $0x90000047  }
0xce: {  	s0 =	sadd.s32 @!p0 $0x100000, s0;
	[bflag:$0x2] =	sbarrier.arrive $0xFFFF  }
0xcf: {  	[sflag:s0] =	ssyncadd.tile.s32 @!p0 $0x1;
	_ =	shalt  }
.Lfunc_end2:
_tile_overlayer_lowered:
.L_overlay_start_2:
0xd0: {  	(tag) =	ssettag $0x2  }
0xd1: {  	s0 =	rddreg [dreg:$0x0];
	s2 =	stileid.u32  }
0xd2: {  	s1 =	rddreg [dreg:$0x1];
	p0 =	sne.s32 s2, $0x0  }
0xd3: {  	s3 =	rddreg [dreg:$0x2];
	[bflag:$0x3] =	sbarrier.arrive $0xFFFF;
	s2 =	simm.s32 @!p0 $0x1C1B  }
0xd4: {  	[timem:s3], [sflag:s2] =	dma.local @!p0 [hbm:s0], s1  }
0xd5: {  	s0 =	simm.s32 @!p0 $0x1B  }
0xd6: {  	_ =	swait.ge @!p0 [sflag:s0], s1  }
0xd7: {  	s1 =	ssub.s32 @!p0 $0x0, s1;
	[sflag:s0] =	ssyncset.done @!p0 $0x0  }
0xd8: {  	[sflag:s0] =	ssyncadd.s32 @!p0 s1  }
0xd9: {  	[bflag:$0x3] =	sbarrier.arrive $0xFFFF  }
0xda: {  	_ =	shalt  }

</sc_bundles>
